<compile_context>
chip_gen: v7x
topology: tpu7x:2x2x1
jax: 0.10.2.dev20260603
libtpu: 0.0.44.dev20260713+nightly
codegen_flags: <defaults>
</compile_context>

<pallas_src>
import functools

import jax
import jax.numpy as jnp
from jax import lax
from jax.experimental import pallas as pl
from jax.experimental.pallas import tpu as pltpu
from jax.experimental.pallas import tpu_sc as plsc

TOP_K = 8
NUM_EXPERTS = 64
HIDDEN = 4096
TOKEN_BLOCK = 1024

NC = 2
NS = 16
LANES = 16
NW = NC * NS
TOKENS = 4 * 4096
TPW = TOKENS // NW
GROUPS = TPW // LANES


def _logits_block(x_ref, wt_ref, b_ref, out_ref):
    out_ref[...] = jnp.dot(
        x_ref[...], wt_ref[...], preferred_element_type=jnp.float32
    ) + b_ref[...]


def _tc_logits(x, wt, b2):
    T = x.shape[0]
    grid = (T // TOKEN_BLOCK,)
    return pl.pallas_call(
        _logits_block,
        grid=grid,
        in_specs=[
            pl.BlockSpec((TOKEN_BLOCK, HIDDEN), lambda i: (i, 0)),
            pl.BlockSpec((HIDDEN, NUM_EXPERTS), lambda i: (0, 0)),
            pl.BlockSpec((1, NUM_EXPERTS), lambda i: (0, 0)),
        ],
        out_specs=pl.BlockSpec((TOKEN_BLOCK, NUM_EXPERTS), lambda i: (i, 0)),
        out_shape=jax.ShapeDtypeStruct((T, NUM_EXPERTS), jnp.float32),
        compiler_params=pltpu.CompilerParams(
            dimension_semantics=("arbitrary",),
        ),
    )(x, wt, b2)


def _sc_route(logits_hbm, scores_hbm, idx_hbm, logits_v, scores_v, idx_v):
    wid = lax.axis_index("s") * NC + lax.axis_index("c")
    base = wid * TPW
    pltpu.sync_copy(
        logits_hbm.at[pl.ds(base * NUM_EXPERTS, TPW * NUM_EXPERTS)], logits_v)

    zeros16 = jnp.zeros((LANES,), jnp.float32)

    def zero_chunk(i, _):
        scores_v[pl.ds(i * LANES, LANES)] = zeros16
        return 0

    lax.fori_loop(0, TPW * NUM_EXPERTS // LANES, zero_chunk, 0)

    lane = lax.iota(jnp.int32, LANES)
    neg_inf = jnp.full((LANES,), -jnp.inf, jnp.float32)
    izero = jnp.zeros((LANES,), jnp.int32)

    def group_body(g, _):
        tok = g * LANES + lane
        row_s = tok * NUM_EXPERTS
        row_i = tok * TOP_K

        def expert_body(e, carry):
            rv = list(carry[0])
            ri = list(carry[1])
            v = plsc.load_gather(logits_v, [row_s + e])
            iv = jnp.full((LANES,), e)
            for j in range(TOP_K):
                gt = v > rv[j]
                new_rv = jnp.where(gt, v, rv[j])
                new_v = jnp.where(gt, rv[j], v)
                new_ri = jnp.where(gt, iv, ri[j])
                new_iv = jnp.where(gt, ri[j], iv)
                rv[j], v = new_rv, new_v
                ri[j], iv = new_ri, new_iv
            return (tuple(rv), tuple(ri))

        init = ((neg_inf,) * TOP_K, (izero,) * TOP_K)
        rv, ri = lax.fori_loop(0, NUM_EXPERTS, expert_body, init)

        top = rv[0]
        ev = [jnp.exp(rv[j] - top) for j in range(TOP_K)]
        denom = ev[0]
        for j in range(1, TOP_K):
            denom = denom + ev[j]
        inv = 1.0 / denom
        for j in range(TOP_K):
            plsc.store_scatter(scores_v, [row_s + ri[j]], ev[j] * inv)
            plsc.store_scatter(idx_v, [row_i + j], ri[j])
        return 0

    lax.fori_loop(0, GROUPS, group_body, 0)

    pltpu.sync_copy(
        scores_v, scores_hbm.at[pl.ds(base * NUM_EXPERTS, TPW * NUM_EXPERTS)])
    pltpu.sync_copy(idx_v, idx_hbm.at[pl.ds(base * TOP_K, TPW * TOP_K)])


_sc_route_call = pl.kernel(
    _sc_route,
    out_type=(
        jax.ShapeDtypeStruct((TOKENS * NUM_EXPERTS,), jnp.float32),
        jax.ShapeDtypeStruct((TOKENS * TOP_K,), jnp.int32),
    ),
    mesh=plsc.VectorSubcoreMesh(
        core_axis_name="c", subcore_axis_name="s"),
    compiler_params=pltpu.CompilerParams(needs_layout_passes=False),
    scratch_types=(
        pltpu.VMEM((TPW * NUM_EXPERTS,), jnp.float32),
        pltpu.VMEM((TPW * NUM_EXPERTS,), jnp.float32),
        pltpu.VMEM((TPW * TOP_K,), jnp.int32),
    ),
)


@functools.partial(jax.jit, static_argnames=())
def kernel(hidden_states, W, b):
    B, S, H = hidden_states.shape
    T = B * S
    x = hidden_states.reshape(T, H)
    wt = W.T
    b2 = b.reshape(1, NUM_EXPERTS)
    logits = _tc_logits(x, wt, b2)
    scores_flat, idx_flat = _sc_route_call(logits.reshape(-1))
    return (scores_flat.reshape(T, NUM_EXPERTS),
            idx_flat.reshape(T, TOP_K))

# --- scband reference (transcript-rebuilt; emitter-appended) ---
"""Pipeline reference for scband-gpt-oss-top-krouter-32581621907748 (READ-ONLY COPY).

The authoritative reference and input builder live on the scoring server;
editing this copy changes nothing except your own understanding.
"""

import jax, jax.numpy as jnp
import numpy as np

TOP_K = 8
NUM_EXPERTS = 64
HIDDEN = 4096
BATCH = 4
SEQ = 4096


def setup_inputs(seed: int = 0) -> dict:
    key = jax.random.key(seed)
    k1, k2, k3 = jax.random.split(key, 3)
    hidden_states = jax.random.normal(k1, (BATCH, SEQ, HIDDEN), dtype=jnp.float32)
    # nn.Linear(hidden_dim, num_experts): weight [E, H], bias [E]
    W = jax.random.normal(k2, (NUM_EXPERTS, HIDDEN), dtype=jnp.float32) * (1.0 / np.sqrt(HIDDEN))
    b = jax.random.normal(k3, (NUM_EXPERTS,), dtype=jnp.float32) * 0.01
    return {"hidden_states": hidden_states, "W": W, "b": b}


def reference(hidden_states, W, b):
    x = hidden_states.reshape(-1, HIDDEN)
    router_logits = x @ W.T + b  # [T, E]
    router_top_value, router_indices = jax.lax.top_k(router_logits, TOP_K)  # [T, k]
    router_top_value = jax.nn.softmax(router_top_value, axis=1)
    T = router_logits.shape[0]
    rows = jnp.arange(T)[:, None]
    router_scores = jnp.zeros_like(router_logits).at[rows, router_indices].set(router_top_value)
    return router_scores, router_indices

if __name__ == "__main__":
    import jax
    _d = setup_inputs()
    print(jax.jit(kernel)(*tuple(_d.values())))

</pallas_src>

<mosaic_0001>
#map = affine_map<(d0, d1) -> (0)>
module attributes {stable_mosaic.version = 14 : i64} {
  func.func @_sc_route(%arg0: i32, %arg1: i32, %arg2: memref<1048576xf32, #tpu.memory_space<hbm>>, %arg3: memref<1048576xf32, #tpu.memory_space<hbm>>, %arg4: memref<131072xi32, #tpu.memory_space<hbm>>, %arg5: memref<32768xf32, #tpu.memory_space<vmem>>, %arg6: memref<32768xf32, #tpu.memory_space<vmem>>, %arg7: memref<4096xi32, #tpu.memory_space<vmem>>) attributes {dimension_semantics = [#tpu.dimension_semantics<core_parallel>, #tpu.dimension_semantics<subcore_parallel>], iteration_bounds = array<i64: 2, 16>, scalar_prefetch = 0 : i64, scratch_operands = 3 : i64, tpu.core_type = #tpu.core_type<sc_vector_subcore>, window_params = [{transform_indices = #map}, {transform_indices = #map}, {transform_indices = #map}]} {
    %mul3A = arith.constant 2 : i32
    %mul3A_0 = arith.muli %arg1, %mul3A : i32
    %add3A = arith.addi %mul3A_0, %arg0 : i32
    %mul3A_1 = arith.constant 512 : i32
    %mul3A_2 = arith.muli %add3A, %mul3A_1 : i32
    %mul3A_3 = arith.constant 64 : i32
    %mul3A_4 = arith.muli %mul3A_2, %mul3A_3 : i32
    "tpu.region"() ({
      %run_scoped3A = tpu.sem_alloc : memref<!tpu.dma_semaphore, #tpu.memory_space<semaphore_mem>>
      %dma_start3A = tpu.memref_slice %arg2[%mul3A_4] : memref<1048576xf32, #tpu.memory_space<hbm>> -> memref<32768xf32, #tpu.memory_space<hbm>>
      %dma_start3A_27 = tpu.memref_slice %arg2[%mul3A_4] : memref<1048576xf32, #tpu.memory_space<hbm>> -> memref<32768xf32, #tpu.memory_space<hbm>>
      tpu.enqueue_dma source(%dma_start3A_27 : memref<32768xf32, #tpu.memory_space<hbm>>) target(%arg5 : memref<32768xf32, #tpu.memory_space<vmem>>) target_semaphore(%run_scoped3A : memref<!tpu.dma_semaphore, #tpu.memory_space<semaphore_mem>>)
      %dma_wait3A = tpu.memref_slice %arg2[%mul3A_4] : memref<1048576xf32, #tpu.memory_space<hbm>> -> memref<32768xf32, #tpu.memory_space<hbm>>
      %dma_wait3A_28 = tpu.memref_slice %arg2[%mul3A_4] : memref<1048576xf32, #tpu.memory_space<hbm>> -> memref<32768xf32, #tpu.memory_space<hbm>>
      tpu.wait_dma2 semaphore(%run_scoped3A : memref<!tpu.dma_semaphore, #tpu.memory_space<semaphore_mem>>) src(%dma_wait3A_28 : memref<32768xf32, #tpu.memory_space<hbm>>) dst(%arg5 : memref<32768xf32, #tpu.memory_space<vmem>>)
      tpu.yield
    }) : () -> ()
    %broadcast_in_dim3A = arith.constant 0.000000e+00 : f32
    %broadcast_in_dim3A_5 = vector.broadcast %broadcast_in_dim3A : f32 to vector<16xf32>
    %scan3A = arith.constant 0 : i32
    %scan3A_6 = arith.constant 0 : i32
    %scan3A_7 = arith.constant 2048 : i32
    %scan3A_8 = arith.addi %scan3A_6, %scan3A_7 : i32
    %scan3A_9 = arith.constant 1 : i32
    %scan3A_10 = scf.for %scan3A_27 = %scan3A_6 to %scan3A_8 step %scan3A_9 iter_args(%scan3A_28 = %scan3A) -> (i32)  : i32 {
      %mul3A_29 = arith.constant 16 : i32
      %mul3A_30 = arith.muli %scan3A_27, %mul3A_29 : i32
      %swap3A = arith.index_cast %mul3A_30 : i32 to index
      %swap3A_31 = tpu.vector_load %arg6[%swap3A] {strides = array<i32>} : memref<32768xf32, #tpu.memory_space<vmem>>, vector<16xf32>,
      tpu.vector_store %arg6[%swap3A], %broadcast_in_dim3A_5 {strides = array<i32>} : memref<32768xf32, #tpu.memory_space<vmem>>, vector<16xf32>,
      %scan3A_32 = arith.constant 0 : i32
      scf.yield %scan3A_32 : i32
    }
    %scan3A_11 = arith.constant 2048 : i32
    %iota3A = tpu.iota {dimensions = array<i32: 0>} : vector<16xi32>
    %broadcast_in_dim3A_12 = arith.constant 0xFF800000 : f32
    %broadcast_in_dim3A_13 = vector.broadcast %broadcast_in_dim3A_12 : f32 to vector<16xf32>
    %broadcast_in_dim3A_14 = arith.constant 0 : i32
    %broadcast_in_dim3A_15 = vector.broadcast %broadcast_in_dim3A_14 : i32 to vector<16xi32>
    %scan3A_16 = arith.constant 0 : i32
    %scan3A_17 = arith.constant 0 : i32
    %scan3A_18 = arith.constant 32 : i32
    %scan3A_19 = arith.addi %scan3A_17, %scan3A_18 : i32
    %scan3A_20 = arith.constant 1 : i32
    %scan3A_21 = scf.for %scan3A_27 = %scan3A_17 to %scan3A_19 step %scan3A_20 iter_args(%scan3A_28 = %scan3A_16) -> (i32)  : i32 {
      %mul3A_29 = arith.constant 16 : i32
      %mul3A_30 = arith.muli %scan3A_27, %mul3A_29 : i32
      %add3A_31 = vector.broadcast %mul3A_30 : i32 to vector<16xi32>
      %add3A_32 = arith.addi %add3A_31, %iota3A : vector<16xi32>
      %mul3A_33 = arith.constant 64 : i32
      %mul3A_34 = vector.broadcast %mul3A_33 : i32 to vector<16xi32>
      %mul3A_35 = arith.muli %add3A_32, %mul3A_34 : vector<16xi32>
      %mul3A_36 = arith.constant 8 : i32
      %mul3A_37 = vector.broadcast %mul3A_36 : i32 to vector<16xi32>
      %mul3A_38 = arith.muli %add3A_32, %mul3A_37 : vector<16xi32>
      %scan3A_39 = arith.constant 0 : i32
      %scan3A_40 = arith.constant 64 : i32
      %scan3A_41 = arith.addi %scan3A_39, %scan3A_40 : i32
      %scan3A_42 = arith.constant 1 : i32
      %scan3A_43:16 = scf.for %scan3A_109 = %scan3A_39 to %scan3A_41 step %scan3A_42 iter_args(%scan3A_110 = %broadcast_in_dim3A_13, %scan3A_111 = %broadcast_in_dim3A_13, %scan3A_112 = %broadcast_in_dim3A_13, %scan3A_113 = %broadcast_in_dim3A_13, %scan3A_114 = %broadcast_in_dim3A_13, %scan3A_115 = %broadcast_in_dim3A_13, %scan3A_116 = %broadcast_in_dim3A_13, %scan3A_117 = %broadcast_in_dim3A_13, %scan3A_118 = %broadcast_in_dim3A_15, %scan3A_119 = %broadcast_in_dim3A_15, %scan3A_120 = %broadcast_in_dim3A_15, %scan3A_121 = %broadcast_in_dim3A_15, %scan3A_122 = %broadcast_in_dim3A_15, %scan3A_123 = %broadcast_in_dim3A_15, %scan3A_124 = %broadcast_in_dim3A_15, %scan3A_125 = %broadcast_in_dim3A_15) -> (vector<16xf32>, vector<16xf32>, vector<16xf32>, vector<16xf32>, vector<16xf32>, vector<16xf32>, vector<16xf32>, vector<16xf32>, vector<16xi32>, vector<16xi32>, vector<16xi32>, vector<16xi32>, vector<16xi32>, vector<16xi32>, vector<16xi32>, vector<16xi32>)  : i32 {
        %add3A_126 = vector.broadcast %scan3A_109 : i32 to vector<16xi32>
        %add3A_127 = arith.addi %mul3A_35, %add3A_126 : vector<16xi32>
        %gather3A = tpu.vector_load_idx %arg5[%add3A_127] : memref<32768xf32, #tpu.memory_space<vmem>>[vector<16xi32>], vector<16xf32>,
        %broadcast_in_dim3A_128 = vector.broadcast %scan3A_109 : i32 to vector<16xi32>
        %gt3A = arith.cmpf ogt, %gather3A, %scan3A_110 : vector<16xf32>
        %select_n3A = arith.select %gt3A, %gather3A, %scan3A_110 : vector<16xi1>, vector<16xf32>
        %select_n3A_129 = arith.select %gt3A, %scan3A_110, %gather3A : vector<16xi1>, vector<16xf32>
        %select_n3A_130 = arith.select %gt3A, %broadcast_in_dim3A_128, %scan3A_118 : vector<16xi1>, vector<16xi32>
        %select_n3A_131 = arith.select %gt3A, %scan3A_118, %broadcast_in_dim3A_128 : vector<16xi1>, vector<16xi32>
        %gt3A_132 = arith.cmpf ogt, %select_n3A_129, %scan3A_111 : vector<16xf32>
        %select_n3A_133 = arith.select %gt3A_132, %select_n3A_129, %scan3A_111 : vector<16xi1>, vector<16xf32>
        %select_n3A_134 = arith.select %gt3A_132, %scan3A_111, %select_n3A_129 : vector<16xi1>, vector<16xf32>
        %select_n3A_135 = arith.select %gt3A_132, %select_n3A_131, %scan3A_119 : vector<16xi1>, vector<16xi32>
        %select_n3A_136 = arith.select %gt3A_132, %scan3A_119, %select_n3A_131 : vector<16xi1>, vector<16xi32>
        %gt3A_137 = arith.cmpf ogt, %select_n3A_134, %scan3A_112 : vector<16xf32>
        %select_n3A_138 = arith.select %gt3A_137, %select_n3A_134, %scan3A_112 : vector<16xi1>, vector<16xf32>
        %select_n3A_139 = arith.select %gt3A_137, %scan3A_112, %select_n3A_134 : vector<16xi1>, vector<16xf32>
        %select_n3A_140 = arith.select %gt3A_137, %select_n3A_136, %scan3A_120 : vector<16xi1>, vector<16xi32>
        %select_n3A_141 = arith.select %gt3A_137, %scan3A_120, %select_n3A_136 : vector<16xi1>, vector<16xi32>
        %gt3A_142 = arith.cmpf ogt, %select_n3A_139, %scan3A_113 : vector<16xf32>
        %select_n3A_143 = arith.select %gt3A_142, %select_n3A_139, %scan3A_113 : vector<16xi1>, vector<16xf32>
        %select_n3A_144 = arith.select %gt3A_142, %scan3A_113, %select_n3A_139 : vector<16xi1>, vector<16xf32>
        %select_n3A_145 = arith.select %gt3A_142, %select_n3A_141, %scan3A_121 : vector<16xi1>, vector<16xi32>
        %select_n3A_146 = arith.select %gt3A_142, %scan3A_121, %select_n3A_141 : vector<16xi1>, vector<16xi32>
        %gt3A_147 = arith.cmpf ogt, %select_n3A_144, %scan3A_114 : vector<16xf32>
        %select_n3A_148 = arith.select %gt3A_147, %select_n3A_144, %scan3A_114 : vector<16xi1>, vector<16xf32>
        %select_n3A_149 = arith.select %gt3A_147, %scan3A_114, %select_n3A_144 : vector<16xi1>, vector<16xf32>
        %select_n3A_150 = arith.select %gt3A_147, %select_n3A_146, %scan3A_122 : vector<16xi1>, vector<16xi32>
        %select_n3A_151 = arith.select %gt3A_147, %scan3A_122, %select_n3A_146 : vector<16xi1>, vector<16xi32>
        %gt3A_152 = arith.cmpf ogt, %select_n3A_149, %scan3A_115 : vector<16xf32>
        %select_n3A_153 = arith.select %gt3A_152, %select_n3A_149, %scan3A_115 : vector<16xi1>, vector<16xf32>
        %select_n3A_154 = arith.select %gt3A_152, %scan3A_115, %select_n3A_149 : vector<16xi1>, vector<16xf32>
        %select_n3A_155 = arith.select %gt3A_152, %select_n3A_151, %scan3A_123 : vector<16xi1>, vector<16xi32>
        %select_n3A_156 = arith.select %gt3A_152, %scan3A_123, %select_n3A_151 : vector<16xi1>, vector<16xi32>
        %gt3A_157 = arith.cmpf ogt, %select_n3A_154, %scan3A_116 : vector<16xf32>
        %select_n3A_158 = arith.select %gt3A_157, %select_n3A_154, %scan3A_116 : vector<16xi1>, vector<16xf32>
        %select_n3A_159 = arith.select %gt3A_157, %scan3A_116, %select_n3A_154 : vector<16xi1>, vector<16xf32>
        %select_n3A_160 = arith.select %gt3A_157, %select_n3A_156, %scan3A_124 : vector<16xi1>, vector<16xi32>
        %select_n3A_161 = arith.select %gt3A_157, %scan3A_124, %select_n3A_156 : vector<16xi1>, vector<16xi32>
        %gt3A_162 = arith.cmpf ogt, %select_n3A_159, %scan3A_117 : vector<16xf32>
        %select_n3A_163 = arith.select %gt3A_162, %select_n3A_159, %scan3A_117 : vector<16xi1>, vector<16xf32>
        %select_n3A_164 = arith.select %gt3A_162, %scan3A_117, %select_n3A_159 : vector<16xi1>, vector<16xf32>
        %select_n3A_165 = arith.select %gt3A_162, %select_n3A_161, %scan3A_125 : vector<16xi1>, vector<16xi32>
        %select_n3A_166 = arith.select %gt3A_162, %scan3A_125, %select_n3A_161 : vector<16xi1>, vector<16xi32>
        scf.yield %select_n3A, %select_n3A_133, %select_n3A_138, %select_n3A_143, %select_n3A_148, %select_n3A_153, %select_n3A_158, %select_n3A_163, %select_n3A_130, %select_n3A_135, %select_n3A_140, %select_n3A_145, %select_n3A_150, %select_n3A_155, %select_n3A_160, %select_n3A_165 : vector<16xf32>, vector<16xf32>, vector<16xf32>, vector<16xf32>, vector<16xf32>, vector<16xf32>, vector<16xf32>, vector<16xf32>, vector<16xi32>, vector<16xi32>, vector<16xi32>, vector<16xi32>, vector<16xi32>, vector<16xi32>, vector<16xi32>, vector<16xi32>
      }
      %scan3A_44 = arith.constant 64 : i32
      %sub3A = arith.subf %scan3A_43#0, %scan3A_43#0 : vector<16xf32>
      %exp3A = math.exp %sub3A : vector<16xf32>
      %sub3A_45 = arith.subf %scan3A_43#1, %scan3A_43#0 : vector<16xf32>
      %exp3A_46 = math.exp %sub3A_45 : vector<16xf32>
      %sub3A_47 = arith.subf %scan3A_43#2, %scan3A_43#0 : vector<16xf32>
      %exp3A_48 = math.exp %sub3A_47 : vector<16xf32>
      %sub3A_49 = arith.subf %scan3A_43#3, %scan3A_43#0 : vector<16xf32>
      %exp3A_50 = math.exp %sub3A_49 : vector<16xf32>
      %sub3A_51 = arith.subf %scan3A_43#4, %scan3A_43#0 : vector<16xf32>
      %exp3A_52 = math.exp %sub3A_51 : vector<16xf32>
      %sub3A_53 = arith.subf %scan3A_43#5, %scan3A_43#0 : vector<16xf32>
      %exp3A_54 = math.exp %sub3A_53 : vector<16xf32>
      %sub3A_55 = arith.subf %scan3A_43#6, %scan3A_43#0 : vector<16xf32>
      %exp3A_56 = math.exp %sub3A_55 : vector<16xf32>
      %sub3A_57 = arith.subf %scan3A_43#7, %scan3A_43#0 : vector<16xf32>
      %exp3A_58 = math.exp %sub3A_57 : vector<16xf32>
      %add3A_59 = arith.addf %exp3A, %exp3A_46 : vector<16xf32>
      %add3A_60 = arith.addf %add3A_59, %exp3A_48 : vector<16xf32>
      %add3A_61 = arith.addf %add3A_60, %exp3A_50 : vector<16xf32>
      %add3A_62 = arith.addf %add3A_61, %exp3A_52 : vector<16xf32>
      %add3A_63 = arith.addf %add3A_62, %exp3A_54 : vector<16xf32>
      %add3A_64 = arith.addf %add3A_63, %exp3A_56 : vector<16xf32>
      %add3A_65 = arith.addf %add3A_64, %exp3A_58 : vector<16xf32>
      %div3A = arith.constant 1.000000e+00 : f32
      %div3A_66 = vector.broadcast %div3A : f32 to vector<16xf32>
      %div3A_67 = arith.divf %div3A_66, %add3A_65 : vector<16xf32>
      %add3A_68 = arith.addi %mul3A_35, %scan3A_43#8 : vector<16xi32>
      %mul3A_69 = arith.mulf %exp3A, %div3A_67 : vector<16xf32>
      tpu.vector_store_idx %arg6[%add3A_68], %mul3A_69 : memref<32768xf32, #tpu.memory_space<vmem>>[vector<16xi32>], vector<16xf32>,
      %add3A_70 = arith.constant 0 : i32
      %add3A_71 = vector.broadcast %add3A_70 : i32 to vector<16xi32>
      %add3A_72 = arith.addi %mul3A_38, %add3A_71 : vector<16xi32>
      tpu.vector_store_idx %arg7[%add3A_72], %scan3A_43#8 : memref<4096xi32, #tpu.memory_space<vmem>>[vector<16xi32>], vector<16xi32>,
      %add3A_73 = arith.addi %mul3A_35, %scan3A_43#9 : vector<16xi32>
      %mul3A_74 = arith.mulf %exp3A_46, %div3A_67 : vector<16xf32>
      tpu.vector_store_idx %arg6[%add3A_73], %mul3A_74 : memref<32768xf32, #tpu.memory_space<vmem>>[vector<16xi32>], vector<16xf32>,
      %add3A_75 = arith.constant 1 : i32
      %add3A_76 = vector.broadcast %add3A_75 : i32 to vector<16xi32>
      %add3A_77 = arith.addi %mul3A_38, %add3A_76 : vector<16xi32>
      tpu.vector_store_idx %arg7[%add3A_77], %scan3A_43#9 : memref<4096xi32, #tpu.memory_space<vmem>>[vector<16xi32>], vector<16xi32>,
      %add3A_78 = arith.addi %mul3A_35, %scan3A_43#10 : vector<16xi32>
      %mul3A_79 = arith.mulf %exp3A_48, %div3A_67 : vector<16xf32>
      tpu.vector_store_idx %arg6[%add3A_78], %mul3A_79 : memref<32768xf32, #tpu.memory_space<vmem>>[vector<16xi32>], vector<16xf32>,
      %add3A_80 = arith.constant 2 : i32
      %add3A_81 = vector.broadcast %add3A_80 : i32 to vector<16xi32>
      %add3A_82 = arith.addi %mul3A_38, %add3A_81 : vector<16xi32>
      tpu.vector_store_idx %arg7[%add3A_82], %scan3A_43#10 : memref<4096xi32, #tpu.memory_space<vmem>>[vector<16xi32>], vector<16xi32>,
      %add3A_83 = arith.addi %mul3A_35, %scan3A_43#11 : vector<16xi32>
      %mul3A_84 = arith.mulf %exp3A_50, %div3A_67 : vector<16xf32>
      tpu.vector_store_idx %arg6[%add3A_83], %mul3A_84 : memref<32768xf32, #tpu.memory_space<vmem>>[vector<16xi32>], vector<16xf32>,
      %add3A_85 = arith.constant 3 : i32
      %add3A_86 = vector.broadcast %add3A_85 : i32 to vector<16xi32>
      %add3A_87 = arith.addi %mul3A_38, %add3A_86 : vector<16xi32>
      tpu.vector_store_idx %arg7[%add3A_87], %scan3A_43#11 : memref<4096xi32, #tpu.memory_space<vmem>>[vector<16xi32>], vector<16xi32>,
      %add3A_88 = arith.addi %mul3A_35, %scan3A_43#12 : vector<16xi32>
      %mul3A_89 = arith.mulf %exp3A_52, %div3A_67 : vector<16xf32>
      tpu.vector_store_idx %arg6[%add3A_88], %mul3A_89 : memref<32768xf32, #tpu.memory_space<vmem>>[vector<16xi32>], vector<16xf32>,
      %add3A_90 = arith.constant 4 : i32
      %add3A_91 = vector.broadcast %add3A_90 : i32 to vector<16xi32>
      %add3A_92 = arith.addi %mul3A_38, %add3A_91 : vector<16xi32>
      tpu.vector_store_idx %arg7[%add3A_92], %scan3A_43#12 : memref<4096xi32, #tpu.memory_space<vmem>>[vector<16xi32>], vector<16xi32>,
      %add3A_93 = arith.addi %mul3A_35, %scan3A_43#13 : vector<16xi32>
      %mul3A_94 = arith.mulf %exp3A_54, %div3A_67 : vector<16xf32>
      tpu.vector_store_idx %arg6[%add3A_93], %mul3A_94 : memref<32768xf32, #tpu.memory_space<vmem>>[vector<16xi32>], vector<16xf32>,
      %add3A_95 = arith.constant 5 : i32
      %add3A_96 = vector.broadcast %add3A_95 : i32 to vector<16xi32>
      %add3A_97 = arith.addi %mul3A_38, %add3A_96 : vector<16xi32>
      tpu.vector_store_idx %arg7[%add3A_97], %scan3A_43#13 : memref<4096xi32, #tpu.memory_space<vmem>>[vector<16xi32>], vector<16xi32>,
      %add3A_98 = arith.addi %mul3A_35, %scan3A_43#14 : vector<16xi32>
      %mul3A_99 = arith.mulf %exp3A_56, %div3A_67 : vector<16xf32>
      tpu.vector_store_idx %arg6[%add3A_98], %mul3A_99 : memref<32768xf32, #tpu.memory_space<vmem>>[vector<16xi32>], vector<16xf32>,
      %add3A_100 = arith.constant 6 : i32
      %add3A_101 = vector.broadcast %add3A_100 : i32 to vector<16xi32>
      %add3A_102 = arith.addi %mul3A_38, %add3A_101 : vector<16xi32>
      tpu.vector_store_idx %arg7[%add3A_102], %scan3A_43#14 : memref<4096xi32, #tpu.memory_space<vmem>>[vector<16xi32>], vector<16xi32>,
      %add3A_103 = arith.addi %mul3A_35, %scan3A_43#15 : vector<16xi32>
      %mul3A_104 = arith.mulf %exp3A_58, %div3A_67 : vector<16xf32>
      tpu.vector_store_idx %arg6[%add3A_103], %mul3A_104 : memref<32768xf32, #tpu.memory_space<vmem>>[vector<16xi32>], vector<16xf32>,
      %add3A_105 = arith.constant 7 : i32
      %add3A_106 = vector.broadcast %add3A_105 : i32 to vector<16xi32>
      %add3A_107 = arith.addi %mul3A_38, %add3A_106 : vector<16xi32>
      tpu.vector_store_idx %arg7[%add3A_107], %scan3A_43#15 : memref<4096xi32, #tpu.memory_space<vmem>>[vector<16xi32>], vector<16xi32>,
      %scan3A_108 = arith.constant 0 : i32
      scf.yield %scan3A_108 : i32
    }
    %scan3A_22 = arith.constant 32 : i32
    %mul3A_23 = arith.constant 64 : i32
    %mul3A_24 = arith.muli %mul3A_2, %mul3A_23 : i32
    "tpu.region"() ({
      %run_scoped3A = tpu.sem_alloc : memref<!tpu.dma_semaphore, #tpu.memory_space<semaphore_mem>>
      %dma_start3A = tpu.memref_slice %arg3[%mul3A_24] : memref<1048576xf32, #tpu.memory_space<hbm>> -> memref<32768xf32, #tpu.memory_space<hbm>>
      %dma_start3A_27 = tpu.memref_slice %arg3[%mul3A_24] : memref<1048576xf32, #tpu.memory_space<hbm>> -> memref<32768xf32, #tpu.memory_space<hbm>>
      tpu.enqueue_dma source(%arg6 : memref<32768xf32, #tpu.memory_space<vmem>>) target(%dma_start3A_27 : memref<32768xf32, #tpu.memory_space<hbm>>) target_semaphore(%run_scoped3A : memref<!tpu.dma_semaphore, #tpu.memory_space<semaphore_mem>>)
      %dma_wait3A = tpu.memref_slice %arg3[%mul3A_24] : memref<1048576xf32, #tpu.memory_space<hbm>> -> memref<32768xf32, #tpu.memory_space<hbm>>
      %dma_wait3A_28 = tpu.memref_slice %arg3[%mul3A_24] : memref<1048576xf32, #tpu.memory_space<hbm>> -> memref<32768xf32, #tpu.memory_space<hbm>>
      tpu.wait_dma2 semaphore(%run_scoped3A : memref<!tpu.dma_semaphore, #tpu.memory_space<semaphore_mem>>) src(%arg6 : memref<32768xf32, #tpu.memory_space<vmem>>) dst(%dma_wait3A_28 : memref<32768xf32, #tpu.memory_space<hbm>>)
      tpu.yield
    }) : () -> ()
    %mul3A_25 = arith.constant 8 : i32
    %mul3A_26 = arith.muli %mul3A_2, %mul3A_25 : i32
    "tpu.region"() ({
      %run_scoped3A = tpu.sem_alloc : memref<!tpu.dma_semaphore, #tpu.memory_space<semaphore_mem>>
      %dma_start3A = tpu.memref_slice %arg4[%mul3A_26] : memref<131072xi32, #tpu.memory_space<hbm>> -> memref<4096xi32, #tpu.memory_space<hbm>>
      %dma_start3A_27 = tpu.memref_slice %arg4[%mul3A_26] : memref<131072xi32, #tpu.memory_space<hbm>> -> memref<4096xi32, #tpu.memory_space<hbm>>
      tpu.enqueue_dma source(%arg7 : memref<4096xi32, #tpu.memory_space<vmem>>) target(%dma_start3A_27 : memref<4096xi32, #tpu.memory_space<hbm>>) target_semaphore(%run_scoped3A : memref<!tpu.dma_semaphore, #tpu.memory_space<semaphore_mem>>)
      %dma_wait3A = tpu.memref_slice %arg4[%mul3A_26] : memref<131072xi32, #tpu.memory_space<hbm>> -> memref<4096xi32, #tpu.memory_space<hbm>>
      %dma_wait3A_28 = tpu.memref_slice %arg4[%mul3A_26] : memref<131072xi32, #tpu.memory_space<hbm>> -> memref<4096xi32, #tpu.memory_space<hbm>>
      tpu.wait_dma2 semaphore(%run_scoped3A : memref<!tpu.dma_semaphore, #tpu.memory_space<semaphore_mem>>) src(%arg7 : memref<4096xi32, #tpu.memory_space<vmem>>) dst(%dma_wait3A_28 : memref<4096xi32, #tpu.memory_space<hbm>>)
      tpu.yield
    }) : () -> ()
    return
  }
}

module attributes {stable_mosaic.version = 14 : i64} {
  func.func @_logits_block(%arg0: i32, %arg1: memref<1024x4096xf32, #tpu.memory_space<vmem>>, %arg2: memref<4096x64xf32, #tpu.memory_space<vmem>>, %arg3: memref<1x64xf32, #tpu.memory_space<vmem>>, %arg4: memref<1024x64xf32, #tpu.memory_space<vmem>>) attributes {dimension_semantics = [#tpu.dimension_semantics<arbitrary>], iteration_bounds = array<i64: 16>, scalar_prefetch = 0 : i64, scratch_operands = 0 : i64, tpu.core_type = #tpu.core_type<tc>, window_params = [{transform_indices = @transform_0, window_bounds = array<i64: 1024, 4096>}, {pipeline_mode = #tpu.pipeline_mode<synchronous>, transform_indices = @transform_1, window_bounds = array<i64: 4096, 64>}, {pipeline_mode = #tpu.pipeline_mode<synchronous>, transform_indices = @transform_2, window_bounds = array<i64: 1, 64>}, {transform_indices = @transform_3, window_bounds = array<i64: 1024, 64>}]} {
    %get3A = arith.constant 0 : index
    %get3A_0 = arith.constant 0 : index
    %get3A_1 = vector.load %arg1[%get3A, %get3A_0] : memref<1024x4096xf32, #tpu.memory_space<vmem>>, vector<1024x4096xf32>
    %get3A_2 = arith.constant 0 : index
    %get3A_3 = arith.constant 0 : index
    %get3A_4 = vector.load %arg2[%get3A_2, %get3A_3] : memref<4096x64xf32, #tpu.memory_space<vmem>>, vector<4096x64xf32>
    %dot_general3A = arith.constant dense<0.000000e+00> : vector<1024x64xf32>
    %dot_general3A_5 = tpu.matmul %get3A_1, %get3A_4, %dot_general3A {dimension_numbers = #tpu.dot_dimension_numbers<[1], [0], [0], [1], [0, 0, 1, 1], [], []>, transpose_lhs_hint = false} : vector<1024x4096xf32>, vector<4096x64xf32>, vector<1024x64xf32> -> vector<1024x64xf32>
    %get3A_6 = arith.constant 0 : index
    %get3A_7 = arith.constant 0 : index
    %get3A_8 = vector.load %arg3[%get3A_6, %get3A_7] : memref<1x64xf32, #tpu.memory_space<vmem>>, vector<1x64xf32>
    %add3A = vector.broadcast %get3A_8 : vector<1x64xf32> to vector<1024x64xf32>
    %add3A_9 = arith.addf %dot_general3A_5, %add3A : vector<1024x64xf32>
    %swap3A = arith.constant 0 : index
    %swap3A_10 = arith.constant 0 : index
    %swap3A_11 = vector.load %arg4[%swap3A, %swap3A_10] : memref<1024x64xf32, #tpu.memory_space<vmem>>, vector<1024x64xf32>
    tpu.vector_store %arg4[%swap3A, %swap3A_10], %add3A_9 {strides = array<i32>} : memref<1024x64xf32, #tpu.memory_space<vmem>>, vector<1024x64xf32>,
    return
  }
  func.func @transform_0(%arg0: i32) -> (i32, i32) {
    %c0_i32 = arith.constant 0 : i32
    %c0_i32_0 = arith.constant 0 : i32
    return %arg0, %c0_i32 : i32, i32
  }
  func.func @transform_1(%arg0: i32) -> (i32, i32) {
    %c0_i32 = arith.constant 0 : i32
    %c0_i32_0 = arith.constant 0 : i32
    %c0_i32_1 = arith.constant 0 : i32
    return %c0_i32, %c0_i32_0 : i32, i32
  }
  func.func @transform_2(%arg0: i32) -> (i32, i32) {
    %c0_i32 = arith.constant 0 : i32
    %c0_i32_0 = arith.constant 0 : i32
    %c0_i32_1 = arith.constant 0 : i32
    return %c0_i32, %c0_i32_0 : i32, i32
  }
  func.func @transform_3(%arg0: i32) -> (i32, i32) {
    %c0_i32 = arith.constant 0 : i32
    %c0_i32_0 = arith.constant 0 : i32
    return %arg0, %c0_i32 : i32, i32
  }
}

</mosaic_0001>

<sc_bundles>
// kernel: kernel.4.cloned.1.call-start
scs
__scs_entry_jumppad:
0x0: {  	(pc) =	sbr.rel $0x88, $3  }
0x1: {  	(tag) =	ssettag $0x0;
	lr =	simm.s32 $0x1  }
0x2: {  	[smem:$0x3F9E] =	sst lr;
	_ =	strace $0xD0000000  }
0x3: {  	_ = 	snop  }
0x4: {  	_ = 	snop  }
0x5: {  	_ = 	snop  }
0x6: {  	_ = 	snop  }
0x7: {  	_ = 	snop  }
__scs_overlays_trampoline_lowered:
0x8: {  	[smem:$0x3FAD] =	sst s0  }
0x9: {  	[smem:$0x3FAE] =	sst s1  }
0xa: {  	[smem:$0x3FAF] =	sst s2  }
0xb: {  	[smem:$0x3FB0] =	sst s3  }
0xc: {  	[smem:$0x3FB1] =	sst s4  }
0xd: {  	[smem:$0x3FB2] =	sst s5  }
0xe: {  	[smem:$0x3FB3] =	sst s6  }
0xf: {  	[smem:$0x3FB4] =	sst s7  }
0x10: {  	[smem:$0x3FB5] =	sst s8  }
0x11: {  	[smem:$0x3FB6] =	sst s9;
	s0 =	simm.s32 @!p0 $0x0  }
0x12: {  	s1 =	sld [smem:$0x3F9C];
	s0 =	simm.s32 @p0 $0x1  }
0x13: {  	[smem:$0x3FB7] =	sst s0;
	s0 =	simm.s32 @!p1 $0x0  }
0x14: {  	s2 =	sld [smem:$0x3F9B];
	s0 =	simm.s32 @p1 $0x1  }
0x15: {  	[smem:$0x3FB8] =	sst s0;
	s0 =	simm.s32 @!p2 $0x0  }
0x16: {  	s3 =	sld [smem:$0x3FDB];
	s0 =	simm.s32 @p2 $0x1  }
0x17: {  	s4 =	simm.s32 $0x1BF5;
	[smem:$0x3FBA] =	sst s0  }
0x18: {  	s0 =	sld [smem:$0x3F9D];
	_ =	swait.ge [sflag:s4], $0x0  }
0x19: {  	s7 =	sld [smem:$0x3F9E]  }
0x1a: {  	s8 =	sadd.s32 $0xFFFFE003, lr  }
0x1b: {  	s9 =	sadd.s32 $0xFFFFFEF7, lr;
	s5 =	simm.s32 $0xFFFFFFFF;
	p2 =	slt.u32 s8, $0xFFFFF086  }
0x1c: {  	p1 =	slt.u32 s9, $0xF7A;
	s5 =	simm.s32 @!p2 $0x0  }
0x1d: {  	s5 =	simm.s32 @p1 $0x1;
	p0 =	seq.s32 s7, s2  }
0x1e: {  	s7 =	smul.u32 @!p0 $0xF7A, s2;
	p2 =	seq.s32 @!p0 s5, $0x0  }
0x1f: {  	s9 =	smul.u32 $0xF7A, s1;
	s8 =	simm.s32 @!p0 $0x1BF5;
	p2 =	por !p2, p0  }
0x20: {  	[sflag:s8] =	ssyncset.s32 @!p0 $0xFFFFF086;
	s6 =	sadd.s32 @!p0 s3, s7;
	s7 =	simm.s32 @!p0 $0x108  }
0x21: {  	s3 =	sadd.s32 s3, s9;
	s6 =	sadd.s32 @!p0 $0x88, s6;
	s7 =	simm.s32 @p2 $0x1082  }
0x22: {  	[simem:s7], [sflag:s8] =	dma.local @!p0 [hbm:s6], $0xF7A  }
0x23: {  	s9 =	sor.u32 $0xD0000000, s2;
	s6 =	simm.s32 $0x108;
	_ =	swait.ge @!p0 [sflag:s8], $0x0  }
0x24: {  	s3 =	sadd.s32 $0x88, s3;
	s6 =	simm.s32 @!p1 $0x1082;
	[sflag:s4] =	ssyncset.s32 $0xFFFFF086  }
0x25: {  	[simem:s6], [sflag:s4] =	dma.local [hbm:s3], $0xF7A  }
0x26: {  	[smem:$0x3F9E] =	sst s1;
	(tag) =	ssettag s2;
	_ =	strace s9  }
0x27: {  	s1 =	sld [smem:$0x3FAE]  }
0x28: {  	s2 =	sld [smem:$0x3FAF]  }
0x29: {  	s4 =	sld [smem:$0x3FB1]  }
0x2a: {  	p0 =	seq.s32 s5, $0x0;
	s5 =	sld [smem:$0x3FB2]  }
0x2b: {  	s6 =	sld [smem:$0x3FB3]  }
0x2c: {  	s7 =	sld [smem:$0x3FB4]  }
0x2d: {  	s3 =	simm.s32 $0x108;
	s8 =	sld [smem:$0x3FB5]  }
0x2e: {  	s3 =	simm.s32 @!p0 $0x1082;
	s9 =	sld [smem:$0x3FB6]  }
0x2f: {  	lr =	sadd.s32 s0, s3;
	s0 =	sld [smem:$0x3FAD]  }
0x30: {  	s3 =	sld [smem:$0x3FB0]  }
0x31: {  	[smem:$0x3FB9] =	sst s10  }
0x32: {  	s10 =	sld [smem:$0x3FB7];
	_ =	sdelay $0x3  }
0x33: {  	p0 =	seq.s32 s10, $0x1;
	s10 =	sld [smem:$0x3FB9];
	_ =	sdelay $0x3  }
0x34: {  	[smem:$0x3FB9] =	sst s10  }
0x35: {  	s10 =	sld [smem:$0x3FB8];
	_ =	sdelay $0x3  }
0x36: {  	p1 =	seq.s32 s10, $0x1;
	s10 =	sld [smem:$0x3FB9];
	_ =	sdelay $0x3  }
0x37: {  	[smem:$0x3FB9] =	sst s10  }
0x38: {  	s10 =	sld [smem:$0x3FBA]  }
0x39: {  	_ = 	snop;
	(pc) =	sbr.ind lr, $3  }
0x3a: {  	_ = 	snop  }
0x3b: {  	_ = 	snop  }
0x3c: {  	p2 =	seq.s32 s10, $0x1;
	s10 =	sld [smem:$0x3FB9]  }
0x3d: {  	_ =	shalt  }
0x3e: {  	_ =	shalt  }
0x3f: {  	_ =	shalt  }
0x40: {  	_ =	shalt  }
0x41: {  	_ =	shalt  }
0x42: {  	_ =	shalt  }
0x43: {  	_ =	shalt  }
0x44: {  	_ =	shalt  }
0x45: {  	_ =	shalt  }
0x46: {  	_ =	shalt  }
0x47: {  	_ =	shalt  }
0x48: {  	_ =	shalt  }
0x49: {  	_ =	shalt  }
0x4a: {  	_ =	shalt  }
0x4b: {  	_ =	shalt  }
0x4c: {  	_ =	shalt  }
0x4d: {  	_ =	shalt  }
0x4e: {  	_ =	shalt  }
0x4f: {  	_ =	shalt  }
0x50: {  	_ =	shalt  }
0x51: {  	_ =	shalt  }
0x52: {  	_ =	shalt  }
0x53: {  	_ =	shalt  }
0x54: {  	_ =	shalt  }
0x55: {  	_ =	shalt  }
0x56: {  	_ =	shalt  }
0x57: {  	_ =	shalt  }
0x58: {  	_ =	shalt  }
0x59: {  	_ =	shalt  }
0x5a: {  	_ =	shalt  }
0x5b: {  	_ =	shalt  }
0x5c: {  	_ =	shalt  }
0x5d: {  	_ =	shalt  }
0x5e: {  	_ =	shalt  }
0x5f: {  	_ =	shalt  }
0x60: {  	_ =	shalt  }
0x61: {  	_ =	shalt  }
0x62: {  	_ =	shalt  }
0x63: {  	_ =	shalt  }
0x64: {  	_ =	shalt  }
0x65: {  	_ =	shalt  }
0x66: {  	_ =	shalt  }
0x67: {  	_ =	shalt  }
0x68: {  	_ =	shalt  }
0x69: {  	_ =	shalt  }
0x6a: {  	_ =	shalt  }
0x6b: {  	_ =	shalt  }
0x6c: {  	_ =	shalt  }
0x6d: {  	_ =	shalt  }
0x6e: {  	_ =	shalt  }
0x6f: {  	_ =	shalt  }
0x70: {  	_ =	shalt  }
0x71: {  	_ =	shalt  }
0x72: {  	_ =	shalt  }
0x73: {  	_ =	shalt  }
0x74: {  	_ =	shalt  }
0x75: {  	_ =	shalt  }
0x76: {  	_ =	shalt  }
0x77: {  	_ =	shalt  }
0x78: {  	_ =	shalt  }
0x79: {  	_ =	shalt  }
0x7a: {  	_ =	shalt  }
0x7b: {  	_ =	shalt  }
0x7c: {  	_ =	shalt  }
0x7d: {  	_ =	shalt  }
0x7e: {  	_ =	shalt  }
0x7f: {  	_ =	shalt  }
0x80: {  	_ =	shalt  }
0x81: {  	_ =	shalt  }
0x82: {  	_ =	shalt  }
0x83: {  	_ =	shalt  }
0x84: {  	_ =	shalt  }
0x85: {  	_ =	shalt  }
0x86: {  	_ =	shalt  }
0x87: {  	_ =	shalt  }
.Lfunc_end0:
.L_simem_size_0:
called_computation_lowered:
.L_overlay_start_0:
0x88: {  	s2 =	sld [smem:$0x3FD9]  }
0x89: {  	s3 =	sld [smem:$0x3FFE];
	_ =	sdelay $0x1  }
0x8a: {  	s1 =	srdreg.scid  }
0x8b: {  	s0 =	sand.u32 $0x1, s1  }
0x8c: {  	s14 =	sshll.u32 s0, $0xA;
	s2 =	sadd.s32 s3, s2  }
0x8d: {  	s2 =	sadd.s32 s2, s14  }
0x8e: {  	[smem:$0x3FC5] =	sst s2  }
0x8f: {  	_ = 	snop  }
0x90: {  	s2 =	sld [smem:$0x3FD0];
	_ =	sdelay $0x2  }
0x91: {  	s15 =	simm.s32 $0xA;
	s4 =	simm.s32 $0x10  }
0x92: {  	[smem:s4], [sflag:s15] =	dma.local [hbm:s2], $0x1  }
0x93: {  	_ =	swait.eq [sflag:s15], $0x1  }
0x94: {  	[sflag:s15] =	ssyncset.done $0x0  }
0x95: {  	s16 =	sld [smem:$0x10];
	[sflag:s15] =	ssyncadd.s32 $0xFFFFFFFF  }
0x96: {  	s17 =	sld [smem:$0x11];
	(tm) =	ssettm $0x1  }
0x97: {  	s18 =	sld [smem:$0x3FFB];
	_ =	sdelay $0x3  }
0x98: {  	_ =	strace s18  }
0x99: {  	s4 =	sld [smem:$0x3FFC];
	_ =	sdelay $0x3  }
0x9a: {  	_ =	strace s4  }
0x9b: {  	s4 =	sld [smem:$0x3FFD];
	_ =	sdelay $0x3  }
0x9c: {  	_ =	strace s4  }
0x9d: {  	_ =	strace $0x8FFFFFFF  }
0x9e: {  	s19 =	sld [smem:$0x3FDB];
	_ =	sdelay $0x1  }
0x9f: {  	s5 =	simm.s32 $_scs_section_size  }
0xa0: {  	s6 =	simm.s32 $_size__tile_overlayer_lowered;
	s7 =	simm.s32 $_tile_overlayer_lowered  }
0xa1: {  	s22 =	simm.s32 $0x1BFF;
	s21 =	sshll.u32 s7, $0x1;
	s4 =	sadd.s32 s5, s19  }
0xa2: {  	s8 =	simm.s32 $0x0;
	s20 =	sshll.u32 s6, $0x1;
	s6 =	sadd.s32 s21, s4  }
0xa3: {  	[timem:s8], [sflag:s22] =	dma.local [hbm:s6], s20  }
0xa4: {  	_ =	swait.ge [sflag:s22], s20  }
0xa5: {  	s5 =	ssub.s32 $0x0, s20;
	[sflag:s22] =	ssyncset.done $0x0  }
0xa6: {  	[sflag:s22] =	ssyncadd.s32 s5;
	_ =	sdelay $0x1  }
0xa7: {  	s23 =	simm.s32 $0x1B8B  }
0xa8: {  	_ =	swait.ge [sflag:s23], $0x1  }
0xa9: {  	[sflag:s23] =	ssyncset.done $0x0  }
0xaa: {  	s25 =	simm.s32 $0x1B8E;
	s24 =	sld [smem:$0x3FFE];
	[sflag:s23] =	ssyncadd.s32 $0xFFFFFFFF  }
0xab: {  	s26 =	simm.s32 $execute0_lowered;
	[smem:$0x3FD2] =	sst s25  }
0xac: {  	s6 =	sshll.u32 s26, $0x1;
	_ =	strace $0x80000046;
	[dreg:$0x1] =	wrdreg $0xFFFFFFFF  }
0xad: {  	s28 =	simm.s32 $_size_execute0_lowered;
	s4 =	sadd.s32 s4, s6;
	[dreg:$0x0] =	wrdreg $0x0  }
0xae: {  	s6 =	sshll.u32 s28, $0x1;
	[dreg:$0x2] =	wrdreg s4  }
0xaf: {  	[dreg:$0x3] =	wrdreg s6  }
0xb0: {  	[dreg:$0x4] =	wrdreg $0xC0  }
0xb1: {  	_ =	task [dreg:s8], $0x5FFFF  }
0xb2: {  	[dreg:$0x1] =	wrdreg $0xFFFFFFFF  }
0xb3: {  	[dreg:$0x0] =	wrdreg $0x60  }
0xb4: {  	[dreg:$0x2] =	wrdreg s16  }
0xb5: {  	[dreg:$0x3] =	wrdreg s24  }
0xb6: {  	[dreg:$0x4] =	wrdreg s17  }
0xb7: {  	[dreg:$0x5] =	wrdreg $0x9  }
0xb8: {  	_ =	task.clear_ibuf [dreg:s8], $0x6FFFF;
	_ =	strace $0x90000046  }
0xb9: {  	s29 =	simm.s32 $0x9;
	_ =	strace $0x80000048  }
0xba: {  	_ =	swait.ge [sflag:s29], $0x1  }
0xbb: {  	[sflag:s29] =	ssyncadd.s32 $0xFFFFFFFF  }
0xbc: {  	_ =	strace $0x90000048  }
0xbd: {  	_ =	sfence  }
0xbe: {  	s30 =	sld [smem:$0x0];
	_ =	sdelay $0x2  }
0xbf: {  	s31 =	sshll.u32 s1, $0xD;
	s1 =	sshrl.u32 s1, $0x2  }
0xc0: {  	s3 =	sand.u32 $0x4000, s31;
	s1 =	sadd.s32 s1, s30  }
0xc1: {  	s0 =	sor.u32 s3, s0;
	s1 =	sshll.u32 s1, $0x11  }
0xc2: {  	s0 =	sor.u32 s1, s0  }
0xc3: {  	s0 =	sadd.s32 $0x8F2B, s0  }
0xc4: {  	[sflag:s0] =	ssyncadd.remote.s32 $0x1  }
0xc5: {  	_ =	sfence.sel $0xFFFF  }
0xc6: {  	[dreg:$0x0] =	wrdreg $0xFFFFFFFF;
	(pc) =	sbr.abs _section_cstart, $3  }
0xc7: {  	[dreg:$0x1] =	wrdreg $0xFFFFFFFF  }
0xc8: {  	_ =	task.clear_ibuf [dreg:s8], $0x2FFFF;
	_ =	strace $0x9FFFFFFF  }
0xc9: {  	(tm) =	ssettm $0x7FFFFFFF  }
tec
execute0_lowered:
.L_overlay_start_1:
0x0: {  	(tag) =	ssettag $0x1  }
0x1: {  	s3 =	rddreg [dreg:$0x0]  }
0x2: {  	s4 =	rddreg [dreg:$0x1]  }
0x3: {  	s5 =	rddreg [dreg:$0x2]  }
0x4: {  	s2 =	srdreg.scid;
	s1 =	stileid.u32  }
0x5: {  	s0 =	rddreg [dreg:$0x3];
	s6 =	sand.u32 $0x1, s2;
	s7 =	sshll.u32 s1, $0x1  }
0x6: {  	s10 =	simm.s32 $0x0;
	s2 =	simm.s32 $0x0;
	s7 =	sor.u32 s6, s7  }
0x7: {  	s6 =	ssub.s32 $0x2, s6;
	[smem:$0x7FF] =	sst s2;
	s8 =	sshll.u32 s7, $0xC  }
0x8: {  	s9 =	sshrl.u32 s6, $0x1;
	_ =	strace $0x80000047;
	s7 =	sshll.u32 s7, $0x9  }
0x9: {  	s4 =	sadd.s32 s8, s4;
	s6 =	ssub.s32 s6, s9;
	s3 =	sadd.s32 s3, s8  }
0xa: {  	s5 =	sadd.s32 s5, s7;
	s7 =	simm.s32 $0x1;
	s8 =	simm.s32 $0x8000  }
0xb: {  	v0 =	vimm.f32 $0.0e+00;
	v1 =	vlaneseq.u32;
	s9 =	simm.s32 $0x10000;
	s4 =	sadd.s32 $0xC00, s4;
	s6 =	smax.u32 s6, $0x1  }
.LBB2_1:
0xc: {  	[tilespmem:s2], [sflag:$0x1] =	stream.linear.gather [hbm4b:s3+s2], $0x8000, $0x38;
	[tilespmem:$0x11000] =	vst v63  }
0xd: {  	_ =	swait.ge [sflag:s7], $0x8000  }
0xe: {  	[sflag:s7] =	ssyncset.done $0x0  }
0xf: {  	s11 =	simm.s32 $0x40;
	s12 =	simm.s32 $0x0;
	[sflag:s7] =	ssyncadd.s32 $0xFFFF8000  }
.LBB2_2:
0x10: {  	p0 =	sne.s32 s11, $0x1FFC0;
	[tilespmem:s12+$0x8000] =	vst v0;
	s12 =	smov.u32 s11;
	s11 =	sadd.s32 $0x40, s11  }
.Ltmp0:
0x11: {  	(pc) =	sbr.rel @p0 .LBB2_2-.Ltmp0, $2  }
0x12: {  	_ =	sdelay $0x2  }
0x13: {  	s12 =	sshra.s32 s12, $0x2  }
0x14: {  	[tilespmem:s12+$0x8000] =	vst v0;
	s11 =	simm.s32 $0x0;
	s12 =	simm.s32 $0x0  }
.LBB2_4:
0x15: {  	s13 =	sshll.u32 s12, $0x4  }
0x16: {  	v3 =	vor.u32 s13, v1  }
0x17: {  	v2 =	vshll.u32 v3, $0x6  }
0x18: {  	v4 =	vor.u32 s11, v2;
	_ =	sdelay $0x4  }
0x19: {  	v5 =	vld.idx.msk [tilespmem:v4+s2+$0x0], $0xffff;
	_ =	sdelay $0x3  }
0x1a: {  	v15 =	vimm.f32 $-Inf;
	s13 =	simm.s32 $0x1  }
0x1b: {  	v7 =	vor.u32 s13, v2;
	vm0 =	vgt.f32 v5, v15  }
0x1c: {  	v6 =	vsel vm0, v15, v5  }
0x1d: {  	vm1 =	vgt.f32 v6, v15  }
0x1e: {  	v23 =	vimm.f32 $-Inf;
	v4 =	vimm.s32 $0x0;
	v8 =	vsel vm1, v15, v6  }
0x1f: {  	v10 =	vnsel vm0, s11, v4;
	v16 =	vsel vm0, v5, v15;
	vm2 =	vgt.f32 v8, v15  }
0x20: {  	v22 =	vld.idx.msk [tilespmem:v7+s2+$0x0], $0xffff;
	v9 =	vsel vm1, v4, v10;
	v19 =	vsel vm1, v6, v15;
	v11 =	vsel vm2, v15, v8  }
0x21: {  	v10 =	vsel vm1, v10, v4;
	v12 =	vsel vm2, v4, v9;
	vm3 =	vgt.f32 v11, v15  }
0x22: {  	v17 =	vsel vm2, v8, v15;
	v5 =	vsel vm2, v9, v4;
	v8 =	vsel vm3, v15, v11  }
0x23: {  	v18 =	vsel vm3, v11, v15;
	v7 =	vsel vm3, v4, v12;
	vm2 =	vgt.f32 v8, v15  }
0x24: {  	v6 =	vsel vm3, v12, v4;
	v9 =	vsel vm2, v15, v8;
	v20 =	vsel vm2, v8, v15  }
0x25: {  	v11 =	vsel vm2, v4, v7;
	v8 =	vsel vm0, s11, v4;
	vm0 =	vgt.f32 v22, v16  }
0x26: {  	v7 =	vsel vm2, v7, v4;
	vm3 =	vgt.f32 v9, v15;
	v25 =	vsel vm0, v16, v22  }
0x27: {  	v13 =	vnsel vm0, s13, v8;
	v21 =	vsel vm3, v9, v15;
	v24 =	vsel vm3, v15, v9  }
0x28: {  	v9 =	vsel vm3, v11, v4;
	v11 =	vsel vm3, v4, v11;
	vm2 =	vgt.f32 v24, v15  }
0x29: {  	s14 =	simm.s32 $0x2;
	s15 =	simm.s32 $0x3;
	v12 =	vmovc v9;
	v26 =	vsel vm2, v15, v24;
	v14 =	vsel vm2, v4, v11;
	v11 =	vsel vm2, v11, v4  }
.LBB2_5:
0x2a: {  	p0 =	sne.s32 s15, $0x3F;
	v27 =	vor.u32 s14, v2;
	vm1 =	vgt.f32 v25, v19;
	vm3 =	vgt.f32 v26, v15;
	s16 =	smov.u32 s15;
	s15 =	sadd.s32 $0x1, s15  }
0x2b: {  	v28 =	vsel vm1, v19, v25;
	v29 =	vsel vm1, v10, v13;
	v15 =	vsel vm3, v26, v15  }
0x2c: {  	v23 =	vsel vm2, v24, v23;
	v4 =	vsel vm3, v14, v4;
	vm4 =	vgt.f32 v28, v17  }
0x2d: {  	v16 =	vsel vm0, v22, v16;
	v14 =	vsel vm4, v17, v28;
	v24 =	vsel vm4, v5, v29  }
0x2e: {  	v19 =	vsel vm1, v25, v19;
	v17 =	vsel vm4, v28, v17;
	vm2 =	vgt.f32 v14, v18  }
0x2f: {  	v22 =	vld.idx.msk [tilespmem:v27+s2+$0x0], $0xffff;
	v25 =	vsel vm2, v18, v14;
	v18 =	vsel vm2, v14, v18;
	v14 =	vsel vm2, v6, v24  }
0x30: {  	v5 =	vsel vm4, v29, v5;
	v6 =	vsel vm2, v24, v6;
	vm2 =	vgt.f32 v25, v20  }
0x31: {  	v26 =	vsel vm2, v20, v25;
	v20 =	vsel vm2, v25, v20;
	v25 =	vsel vm2, v7, v14  }
.Ltmp1:
0x32: {  	v8 =	vsel vm0, s13, v8;
	s13 =	smov.u32 s14;
	s14 =	smov.u32 s16;
	v7 =	vsel vm2, v14, v7;
	vm0 =	vgt.f32 v26, v21;
	(pc) =	sbr.rel @p0 .LBB2_5-.Ltmp1, $4  }
0x33: {  	v24 =	vsel vm0, v21, v26;
	v21 =	vsel vm0, v26, v21;
	v9 =	vsel vm0, v25, v9  }
0x34: {  	v10 =	vsel vm1, v13, v10;
	v27 =	vsel vm0, v12, v25;
	vm2 =	vgt.f32 v24, v23;
	v12 =	vmovc v9  }
0x35: {  	vm0 =	vgt.f32 v22, v16;
	v26 =	vsel vm2, v23, v24;
	v14 =	vsel vm2, v11, v27  }
0x36: {  	v25 =	vsel vm0, v16, v22;
	v13 =	vnsel vm0, s13, v8;
	v11 =	vsel vm2, v27, v11  }
0x37: {  	v27 =	vor.u32 s14, v2;
	vm1 =	vgt.f32 v25, v19  }
0x38: {  	v28 =	vsel vm1, v19, v25  }
0x39: {  	vm3 =	vgt.f32 v28, v17  }
0x3a: {  	v29 =	vsel vm3, v17, v28  }
0x3b: {  	vm4 =	vgt.f32 v29, v18  }
0x3c: {  	v27 =	vld.idx.msk [tilespmem:v27+s2+$0x0], $0xffff;
	v30 =	vsel vm4, v18, v29  }
0x3d: {  	vm15 =	vgt.f32 v26, v15;
	v23 =	vsel vm2, v24, v23;
	vm8 =	vgt.f32 v30, v20  }
0x3e: {  	v16 =	vsel vm0, v22, v16;
	v39 =	vimm.s32 $0x0;
	v62 =	vsel vm8, v20, v30  }
0x3f: {  	v15 =	vsel vm15, v26, v15;
	v61 =	vsel vm1, v25, v19;
	vm11 =	vgt.f32 v62, v21  }
0x40: {  	v63 =	vsel vm3, v28, v17;
	v32 =	vsel vm4, v29, v18;
	v33 =	vsel vm11, v21, v62  }
0x41: {  	v35 =	vsel vm8, v30, v20;
	vm13 =	vgt.f32 v27, v16;
	vm12 =	vgt.f32 v33, v23  }
0x42: {  	v36 =	vsel vm11, v62, v21;
	v34 =	vsel vm13, v16, v27;
	v37 =	vsel vm12, v23, v33  }
0x43: {  	v16 =	vsel vm13, v27, v16;
	v44 =	vsel vm12, v33, v23;
	vm9 =	vgt.f32 v34, v61  }
0x44: {  	v41 =	vsub.f32 v16, v16;
	v38 =	vsel vm9, v61, v34;
	v19 =	vsel vm9, v34, v61  }
0x45: {  	vm14 =	vgt.f32 v37, v15;
	vm6 =	vgt.f32 v38, v63;
	v19 =	vsub.f32 v19, v16  }
0x46: {  	v28 =	vsel vm14, $0xFFFFFFFF, v39;
	v25 =	vmul.f32 $1.442695020e+00, v41;
	v40 =	vsel vm6, v63, v38  }
0x47: {  	v17 =	vsel vm6, v38, v63;
	vm7 =	vgt.f32 v40, v32;
	v19 =	vmul.f32 $1.442695020e+00, v19  }
0x48: {  	v17 =	vsub.f32 v17, v16;
	(erf) = vpow2.f32 v25;
	v42 =	vsel vm7, v32, v40  }
0x49: {  	v18 =	vsel vm7, v40, v32;
	vm2 =	vgt.f32 v42, v35;
	(erf) = vpow2.f32 v19  }
0x4a: {  	v17 =	vmul.f32 $1.442695020e+00, v17;
	v18 =	vsub.f32 v18, v16;
	v43 =	vsel vm2, v42, v35  }
0x4b: {  	v15 =	vsel vm14, v37, v15;
	v20 =	vsel vm2, v35, v42;
	v45 =	vsub.f32 v43, v16  }
0x4c: {  	vm14 =	vgt.f32 v20, v36;
	(erf) = vpow2.f32 v17;
	v46 =	vmul.f32 $1.442695020e+00, v18  }
0x4d: {  	v47 =	vsel vm14, v20, v36;
	v20 =	vsel vm14, v36, v20;
	v48 =	vmul.f32 $1.442695020e+00, v45  }
0x4e: {  	vm10 =	vgt.f32 v20, v44;
	(erf) = vpow2.f32 v46;
	v49 =	vsub.f32 v47, v16  }
0x4f: {  	v50 =	vsel vm10, v44, v20;
	v19 =	vsel vm10, v20, v44;
	(erf) = vpow2.f32 v48  }
0x50: {  	v17 =	vmul.f32 $1.442695020e+00, v49;
	v19 =	vsub.f32 v19, v16;
	vm5 =	vgt.f32 v50, v15  }
0x51: {  	v15 =	vsel vm5, v50, v15  }
0x52: {  	v51 =	vpop (erf);
	(erf) = vpow2.f32 v17;
	v52 =	vmul.f32 $1.442695020e+00, v19;
	v15 =	vsub.f32 v15, v16  }
0x53: {  	v53 =	vpop (erf)  }
0x54: {  	(erf) = vpow2.f32 v52;
	v15 =	vmul.f32 $1.442695020e+00, v15;
	v54 =	vadd.f32 v53, v51  }
0x55: {  	v55 =	vpop (erf)  }
0x56: {  	(erf) = vpow2.f32 v15;
	v56 =	vadd.f32 v55, v54  }
0x57: {  	v57 =	vpop (erf)  }
0x58: {  	v15 =	vadd.f32 v57, v56  }
0x59: {  	v58 =	vpop (erf)  }
0x5a: {  	v15 =	vadd.f32 v58, v15  }
0x5b: {  	v21 =	vpop (erf)  }
0x5c: {  	v15 =	vadd.f32 v21, v15  }
0x5d: {  	v22 =	vpop (erf)  }
0x5e: {  	v15 =	vadd.f32 v22, v15  }
0x5f: {  	v23 =	vpop (erf)  }
0x60: {  	v15 =	vadd.f32 v23, v15;
	_ =	sdelay $0x1  }
0x61: {  	(erf) = vrcp.f32 v15  }
0x62: {  	v59 =	vsel vm1, v10, v13  }
0x63: {  	v60 =	vsel vm3, v5, v59  }
0x64: {  	v62 =	vsel vm4, v6, v60  }
0x65: {  	v8 =	vsel vm0, s13, v8;
	v3 =	vshll.u32 v3, $0x3;
	v30 =	vsel vm8, v7, v62  }
0x66: {  	v4 =	vsel vm15, v14, v4;
	v31 =	vsel vm8, v62, v7;
	v9 =	vsel vm11, v30, v9  }
0x67: {  	v33 =	vsel vm13, s14, v8;
	v12 =	vsel vm11, v12, v30;
	v8 =	vnsel vm13, s14, v8  }
0x68: {  	v61 =	vsel vm3, v59, v5;
	v34 =	vadd.s32 v2, v33;
	[tilespmem:$0x1FFF0] =	vst v28;
	v32 =	vsel vm1, v13, v10  }
0x69: {  	v37 =	vsel vm12, v12, v11;
	v41 =	vor.u32 $0x1, v3;
	v42 =	vld [tilespmem:$0x1FFF0];
	v36 =	vsel vm9, v8, v32  }
0x6a: {  	v63 =	vsel vm4, v60, v6;
	v8 =	vsel vm9, v32, v8;
	v39 =	vadd.s32 v2, v36;
	v38 =	vpop (erf)  }
0x6b: {  	v40 =	vsel vm6, v8, v61;
	v5 =	vsel vm6, v61, v8;
	v18 =	vmul.f32 v38, v51  }
0x6c: {  	v35 =	vsel vm12, v11, v12;
	v43 =	vadd.s32 v2, v40;
	v44 =	vsel vm7, v5, v63  }
0x6d: {  	v46 =	vor.u32 $0x2, v3;
	v5 =	vsel vm7, v63, v5;
	v45 =	vmul.f32 v38, v53;
	[tilespmem:v34+s8+$0x0] =	vst.idx.msk $0xffff, v18  }
0x6e: {  	vm15 =	vnez.u8 v42;
	v47 =	vadd.s32 v2, v44;
	v48 =	vsel vm2, v5, v31;
	[tilespmem:v3+s9+$0x0] =	vst.idx.msk $0xffff, v33  }
0x6f: {  	v5 =	vsel vm2, v31, v5;
	v50 =	vor.u32 $0x3, v3;
	v49 =	vmul.f32 v38, v55;
	[tilespmem:v39+s8+$0x0] =	vst.idx.msk $0xffff, v45  }
0x70: {  	v4 =	vsel vm15, v35, v4;
	v51 =	vadd.s32 v2, v48;
	[tilespmem:v41+s9+$0x0] =	vst.idx.msk $0xffff, v36  }
0x71: {  	v52 =	vsel vm14, v5, v9;
	v54 =	vor.u32 $0x4, v3;
	v53 =	vmul.f32 v38, v57;
	[tilespmem:v43+s8+$0x0] =	vst.idx.msk $0xffff, v49  }
0x72: {  	v5 =	vsel vm14, v9, v5;
	v55 =	vadd.s32 v2, v52;
	[tilespmem:v46+s9+$0x0] =	vst.idx.msk $0xffff, v40  }
0x73: {  	v56 =	vsel vm10, v5, v37;
	v57 =	vmul.f32 v38, v58;
	v58 =	vor.u32 $0x5, v3;
	[tilespmem:v47+s8+$0x0] =	vst.idx.msk $0xffff, v53  }
0x74: {  	v5 =	vsel vm10, v37, v5;
	v59 =	vadd.s32 v2, v56;
	[tilespmem:v50+s9+$0x0] =	vst.idx.msk $0xffff, v44  }
0x75: {  	v61 =	vor.u32 $0x6, v3;
	v4 =	vsel vm5, v5, v4;
	v60 =	vmul.f32 v38, v21;
	[tilespmem:v51+s8+$0x0] =	vst.idx.msk $0xffff, v57  }
0x76: {  	s12 =	sadd.s32 $0x1, s12;
	v2 =	vadd.s32 v2, v4;
	[tilespmem:v54+s9+$0x0] =	vst.idx.msk $0xffff, v48  }
0x77: {  	p0 =	sne.s32 s12, $0x20;
	v62 =	vmul.f32 v38, v22;
	v3 =	vor.u32 $0x7, v3;
	[tilespmem:v55+s8+$0x0] =	vst.idx.msk $0xffff, v60  }
.Ltmp2:
0x78: {  	[tilespmem:v58+s9+$0x0] =	vst.idx.msk $0xffff, v52;
	(pc) =	sbr.rel @p0 .LBB2_4-.Ltmp2, $4  }
0x79: {  	v63 =	vmul.f32 v38, v23;
	[tilespmem:v59+s8+$0x0] =	vst.idx.msk $0xffff, v62  }
0x7a: {  	[tilespmem:v61+s9+$0x0] =	vst.idx.msk $0xffff, v56  }
0x7b: {  	[tilespmem:v2+s8+$0x0] =	vst.idx.msk $0xffff, v63  }
0x7c: {  	[tilespmem:v3+s9+$0x0] =	vst.idx.msk $0xffff, v4  }
0x7d: {  	[hbm4b:s4+s2] =	stream.linear.scatter [tilespmem:s8], [sflag:$0x1], $0x8000, $0x38;
	[tilespmem:$0x11000] =	vst v63  }
0x7e: {  	s10 =	sadd.s32 $0x1, s10;
	_ =	swait.ge [sflag:s7], $0x8000  }
0x7f: {  	p0 =	sne.s32 s10, s6;
	[sflag:s7] =	ssyncset.done $0x0  }
.Ltmp3:
0x80: {  	[sflag:s7] =	ssyncadd.s32 $0xFFFF8000;
	(pc) =	sbr.rel @p0 .LBB2_1-.Ltmp3, $4  }
0x81: {  	[hbm4b:s5+s2] =	stream.linear.scatter [tilespmem:s9], [sflag:$0x1], $0x1000, $0x38;
	[tilespmem:$0x11000] =	vst v63  }
0x82: {  	_ =	swait.ge [sflag:s7], $0x1000  }
0x83: {  	[sflag:s7] =	ssyncset.done $0x0  }
0x84: {  	[sflag:s7] =	ssyncadd.s32 $0xFFFFF000  }
0x85: {  	_ =	sfence.sel $0x180000  }
0x86: {  	[bflag:$0x0] =	sbarrier.arrive $0xFFFF  }
0x87: {  	p0 =	sne.s32 s1, $0x0;
	_ =	strace $0x90000047  }
0x88: {  	s0 =	sadd.s32 @!p0 $0x100000, s0;
	[bflag:$0x2] =	sbarrier.arrive $0xFFFF  }
0x89: {  	[sflag:s0] =	ssyncadd.tile.s32 @!p0 $0x1;
	_ =	shalt  }
.Lfunc_end2:
_tile_overlayer_lowered:
.L_overlay_start_2:
0x8a: {  	(tag) =	ssettag $0x2  }
0x8b: {  	s0 =	rddreg [dreg:$0x0];
	s2 =	stileid.u32  }
0x8c: {  	s1 =	rddreg [dreg:$0x1];
	p0 =	sne.s32 s2, $0x0  }
0x8d: {  	s3 =	rddreg [dreg:$0x2];
	[bflag:$0x3] =	sbarrier.arrive $0xFFFF;
	s2 =	simm.s32 @!p0 $0x1C01  }
0x8e: {  	[timem:s3], [sflag:s2] =	dma.local @!p0 [hbm:s0], s1  }
0x8f: {  	s0 =	simm.s32 @!p0 $0x1  }
0x90: {  	_ =	swait.ge @!p0 [sflag:s0], s1  }
0x91: {  	s1 =	ssub.s32 @!p0 $0x0, s1;
	[sflag:s0] =	ssyncset.done @!p0 $0x0  }
0x92: {  	[sflag:s0] =	ssyncadd.s32 @!p0 s1  }
0x93: {  	[bflag:$0x3] =	sbarrier.arrive $0xFFFF  }
0x94: {  	_ =	shalt  }

</sc_bundles>
